<compile_context>
chip_gen: v7x
topology: tpu7x:2x2x1
jax: 0.10.2.dev20260603
libtpu: 0.0.44.dev20260713+nightly
codegen_flags: <defaults>
</compile_context>

<pallas_src>
import functools

import jax
import jax.numpy as jnp
import numpy as np
from jax import lax
from jax.experimental import pallas as pl
from jax.experimental.pallas import tpu as pltpu
from jax.experimental.pallas import tpu_sc as plsc

_B, _L, _S = 1024, 50, 32
_SUB = 32
_T = _L + 1
_BROWS = _T * _S
_CHUNKS = _T * 8
_V = 386
_VAUG = _V + _S
_NC, _NS = 2, 16
_NW = _NC * _NS
_BPW = _B // _NW


def _make_sc_kernel():
    mesh = plsc.VectorSubcoreMesh(core_axis_name="c", subcore_axis_name="s")

    @functools.partial(
        pl.kernel,
        mesh=mesh,
        out_type=jax.ShapeDtypeStruct((_B * _CHUNKS, 128), jnp.float32),
        scratch_types=[
            pltpu.VMEM((_BROWS,), jnp.int32),
            pltpu.VMEM((_BROWS,), jnp.int32),
            pltpu.VMEM((_BROWS, _SUB), jnp.float32),
            pltpu.VMEM((_BROWS, _SUB), jnp.float32),
            pltpu.VMEM_SHARED((_VAUG, _SUB), jnp.float32),
            pltpu.SemaphoreType.DMA,
            pltpu.SemaphoreType.DMA,
            pltpu.SemaphoreType.DMA,
            pltpu.SemaphoreType.DMA,
        ],
        compiler_params=pltpu.CompilerParams(use_tc_tiling_on_sc=False),
    )
    def k(xp_hbm, aug_hbm, out_hbm,
          idx_a, idx_b, rows_a, rows_b, aug_sh, gsem_a, gsem_b, isem_a, isem_b):
        wid = lax.axis_index("s") * _NC + lax.axis_index("c")
        b0 = wid * _BPW

        @pl.when(lax.axis_index("s") == 0)
        def _():
            pltpu.sync_copy(aug_hbm, aug_sh)

        plsc.subcore_barrier()

        def idx_copy(slot_ref, sem, i):
            return pltpu.make_async_copy(
                xp_hbm.at[pl.ds((b0 + i) * _BROWS, _BROWS)], slot_ref, sem)

        def gather(idx_ref, rows_ref, sem):
            return pltpu.make_async_copy(aug_sh.at[idx_ref], rows_ref, sem)

        def stores(rows_ref, sem, i):
            base = (b0 + i) * _CHUNKS
            return [
                pltpu.make_async_copy(
                    rows_ref.at[pl.ds(q * _CHUNKS, _CHUNKS)],
                    out_hbm.at[pl.ds(base, _CHUNKS), pl.ds(q * _SUB, _SUB)],
                    sem)
                for q in range(4)
            ]

        def store_all(rows_ref, sem, i):
            for c in stores(rows_ref, sem, i):
                c.start()
            for c in stores(rows_ref, sem, i):
                c.wait()

        idx_copy(idx_a, isem_a, 0).start()
        idx_copy(idx_b, isem_b, 1).start()
        idx_copy(idx_a, isem_a, 0).wait()
        gather(idx_a, rows_a, gsem_a).start()

        def body(j, carry):
            ia = 2 * j
            idx_copy(idx_b, isem_b, ia + 1).wait()
            gather(idx_b, rows_b, gsem_b).start()
            gather(idx_a, rows_a, gsem_a).wait()
            store_all(rows_a, gsem_a, ia)

            @pl.when(j < _BPW // 2 - 1)
            def _():
                idx_copy(idx_a, isem_a, ia + 2).start()
                idx_copy(idx_a, isem_a, ia + 2).wait()
                gather(idx_a, rows_a, gsem_a).start()
                idx_copy(idx_b, isem_b, ia + 3).start()

            gather(idx_b, rows_b, gsem_b).wait()
            store_all(rows_b, gsem_b, ia + 1)
            return carry

        lax.fori_loop(0, _BPW // 2, body, 0)

    return k


_sc_kernel = _make_sc_kernel()
_SOS_IDX = np.arange(_V, _VAUG, dtype=np.int32)


def _relayout_body(i_ref, o_ref):
    o_ref[...] = (
        i_ref[...].reshape(8, _T, _S * _SUB).transpose(1, 0, 2))


_relayout = pl.pallas_call(
    _relayout_body,
    grid=(128,),
    in_specs=[pl.BlockSpec((8 * _CHUNKS, 128), lambda b: (b, 0))],
    out_specs=pl.BlockSpec((_T, 8, _S * _SUB), lambda b: (0, b, 0)),
    out_shape=jax.ShapeDtypeStruct((_T, _B, _S * _SUB), jnp.float32),
)


def kernel(x, sos, table):
    xfull = jnp.concatenate(
        [jnp.broadcast_to(jnp.asarray(_SOS_IDX), (_B, _S)),
         x.reshape(_B, _L * _S).astype(jnp.int32)], axis=1)
    xp = xfull.reshape(_B, _T, 8, 4).transpose(0, 3, 1, 2).reshape(-1)
    aug = jnp.concatenate([table, sos.reshape(_S, _SUB)], axis=0)
    lin = _sc_kernel(xp, aug)
    out51 = _relayout(lin)
    return out51.transpose(1, 0, 2)

# --- scband reference (transcript-rebuilt; emitter-appended) ---
"""Pipeline reference for scband-input-embedding-68736656605847 (READ-ONLY COPY).

The authoritative reference and input builder live on the scoring server;
editing this copy changes nothing except your own understanding.
"""

import jax, jax.numpy as jnp
import numpy as np

B, L, S = 1024, 50, 32
VOCAB = 386
EMBED_DIM = 1024
SUB_DIM = EMBED_DIM // S  # 32

def setup_inputs(seed: int = 0) -> dict:
    key = jax.random.key(seed)
    k1, k2, k3 = jax.random.split(key, 3)
    x = jax.random.randint(k1, (B, L, S), 0, VOCAB, dtype=jnp.int64)
    sos = jax.random.normal(k2, (1, 1, EMBED_DIM), dtype=jnp.float32)
    table = jax.random.normal(k3, (VOCAB, SUB_DIM), dtype=jnp.float32)
    return {"x": x, "sos": sos, "table": table}

def reference(x, sos, table):
    # pitch_embedding(x): [B, L, S, SUB_DIM] via gather
    emb = jnp.take(table, x, axis=0)
    # flatten(2, 3) -> [B, L, S*SUB_DIM] = [B, L, EMBED_DIM]
    out = emb.reshape(x.shape[0], x.shape[1], S * SUB_DIM)
    # sos.repeat(len(out), 1, 1) and concat along seq dim (padding=True path)
    sos_rep = jnp.tile(sos, (x.shape[0], 1, 1))
    out = jnp.concatenate([sos_rep, out], axis=1)
    return out

if __name__ == "__main__":
    import jax
    _d = setup_inputs()
    print(jax.jit(kernel)(*tuple(_d.values())))

</pallas_src>

<mosaic_0001>
#map = affine_map<(d0, d1) -> (0)>
#map1 = affine_map<(d0, d1) -> (0, 0)>
module attributes {stable_mosaic.version = 14 : i64} {
  func.func @k(%arg0: i32, %arg1: i32, %arg2: memref<1671168xi32, #tpu.memory_space<hbm>>, %arg3: memref<418x32xf32, #tpu.memory_space<hbm>>, %arg4: memref<417792x128xf32, #tpu.memory_space<hbm>>, %arg5: memref<1632xi32, #tpu.memory_space<vmem>>, %arg6: memref<1632xi32, #tpu.memory_space<vmem>>, %arg7: memref<1632x32xf32, #tpu.memory_space<vmem>>, %arg8: memref<1632x32xf32, #tpu.memory_space<vmem>>, %arg9: memref<418x32xf32, #tpu.memory_space<vmem_shared>>, %arg10: memref<!tpu.dma_semaphore, #tpu.memory_space<semaphore_mem>>, %arg11: memref<!tpu.dma_semaphore, #tpu.memory_space<semaphore_mem>>, %arg12: memref<!tpu.dma_semaphore, #tpu.memory_space<semaphore_mem>>, %arg13: memref<!tpu.dma_semaphore, #tpu.memory_space<semaphore_mem>>) attributes {dimension_semantics = [#tpu.dimension_semantics<core_parallel>, #tpu.dimension_semantics<subcore_parallel>], iteration_bounds = array<i64: 2, 16>, scalar_prefetch = 0 : i64, scratch_operands = 9 : i64, tpu.core_type = #tpu.core_type<sc_vector_subcore>, window_params = [{transform_indices = #map}, {transform_indices = #map1}, {transform_indices = #map1}]} {
    %mul3A = arith.constant 2 : i32
    %mul3A_0 = arith.muli %arg1, %mul3A : i32
    %add3A = arith.addi %mul3A_0, %arg0 : i32
    %mul3A_1 = arith.constant 32 : i32
    %mul3A_2 = arith.muli %add3A, %mul3A_1 : i32
    %eq3A = arith.constant 0 : i32
    %eq3A_3 = arith.cmpi eq, %arg1, %eq3A : i32
    %convert_element_type3A = arith.extui %eq3A_3 : i1 to i32
    %cond3A = arith.constant 0 : i32
    %cond3A_4 = arith.cmpi ne, %convert_element_type3A, %cond3A : i32
    scf.if %cond3A_4 {
      "tpu.region"() ({
        %run_scoped3A = tpu.sem_alloc : memref<!tpu.dma_semaphore, #tpu.memory_space<semaphore_mem>>
        tpu.enqueue_dma source(%arg3 : memref<418x32xf32, #tpu.memory_space<hbm>>) target(%arg9 : memref<418x32xf32, #tpu.memory_space<vmem_shared>>) target_semaphore(%run_scoped3A : memref<!tpu.dma_semaphore, #tpu.memory_space<semaphore_mem>>)
        tpu.wait_dma2 semaphore(%run_scoped3A : memref<!tpu.dma_semaphore, #tpu.memory_space<semaphore_mem>>) src(%arg3 : memref<418x32xf32, #tpu.memory_space<hbm>>) dst(%arg9 : memref<418x32xf32, #tpu.memory_space<vmem_shared>>)
        tpu.yield
      }) : () -> ()
    } else {
    }
    %barrier3A = arith.constant 0 : index
    tpu.barrier barrier_id(%barrier3A)
    %add3A_5 = arith.constant 0 : i32
    %add3A_6 = arith.addi %mul3A_2, %add3A_5 : i32
    %mul3A_7 = arith.constant 1632 : i32
    %mul3A_8 = arith.muli %add3A_6, %mul3A_7 : i32
    %dma_start3A = tpu.memref_slice %arg2[%mul3A_8] : memref<1671168xi32, #tpu.memory_space<hbm>> -> memref<1632xi32, #tpu.memory_space<hbm>>
    %dma_start3A_9 = tpu.memref_slice %arg2[%mul3A_8] : memref<1671168xi32, #tpu.memory_space<hbm>> -> memref<1632xi32, #tpu.memory_space<hbm>>
    tpu.enqueue_dma source(%dma_start3A_9 : memref<1632xi32, #tpu.memory_space<hbm>>) target(%arg5 : memref<1632xi32, #tpu.memory_space<vmem>>) target_semaphore(%arg12 : memref<!tpu.dma_semaphore, #tpu.memory_space<semaphore_mem>>)
    %add3A_10 = arith.constant 1 : i32
    %add3A_11 = arith.addi %mul3A_2, %add3A_10 : i32
    %mul3A_12 = arith.constant 1632 : i32
    %mul3A_13 = arith.muli %add3A_11, %mul3A_12 : i32
    %dma_start3A_14 = tpu.memref_slice %arg2[%mul3A_13] : memref<1671168xi32, #tpu.memory_space<hbm>> -> memref<1632xi32, #tpu.memory_space<hbm>>
    %dma_start3A_15 = tpu.memref_slice %arg2[%mul3A_13] : memref<1671168xi32, #tpu.memory_space<hbm>> -> memref<1632xi32, #tpu.memory_space<hbm>>
    tpu.enqueue_dma source(%dma_start3A_15 : memref<1632xi32, #tpu.memory_space<hbm>>) target(%arg6 : memref<1632xi32, #tpu.memory_space<vmem>>) target_semaphore(%arg13 : memref<!tpu.dma_semaphore, #tpu.memory_space<semaphore_mem>>)
    %add3A_16 = arith.constant 0 : i32
    %add3A_17 = arith.addi %mul3A_2, %add3A_16 : i32
    %mul3A_18 = arith.constant 1632 : i32
    %mul3A_19 = arith.muli %add3A_17, %mul3A_18 : i32
    %dma_wait3A = tpu.memref_slice %arg2[%mul3A_19] : memref<1671168xi32, #tpu.memory_space<hbm>> -> memref<1632xi32, #tpu.memory_space<hbm>>
    %dma_wait3A_20 = tpu.memref_slice %arg2[%mul3A_19] : memref<1671168xi32, #tpu.memory_space<hbm>> -> memref<1632xi32, #tpu.memory_space<hbm>>
    tpu.wait_dma2 semaphore(%arg12 : memref<!tpu.dma_semaphore, #tpu.memory_space<semaphore_mem>>) src(%dma_wait3A_20 : memref<1632xi32, #tpu.memory_space<hbm>>) dst(%arg5 : memref<1632xi32, #tpu.memory_space<vmem>>)
    %dma_start3A_21 = arith.constant 0 : i32
    %dma_start3A_22 = arith.constant 0 : i32
    %dma_start3A_23 = tpu.memref_slice %arg9[%dma_start3A_21, %dma_start3A_22] : memref<418x32xf32, #tpu.memory_space<vmem_shared>> -> memref<418x32xf32, #tpu.memory_space<vmem_shared>>
    tpu.enqueue_indirect_dma source(%dma_start3A_23 : memref<418x32xf32, #tpu.memory_space<vmem_shared>>) target(%arg7 : memref<1632x32xf32, #tpu.memory_space<vmem>>) offsets(%arg5 : memref<1632xi32, #tpu.memory_space<vmem>>) semaphore(%arg10 : memref<!tpu.dma_semaphore, #tpu.memory_space<semaphore_mem>>)
    %scan3A = arith.constant 0 : i32
    %scan3A_24 = arith.constant 0 : i32
    %scan3A_25 = arith.constant 16 : i32
    %scan3A_26 = arith.addi %scan3A_24, %scan3A_25 : i32
    %scan3A_27 = arith.constant 1 : i32
    scf.for %scan3A_29 = %scan3A_24 to %scan3A_26 step %scan3A_27  : i32 {
      %mul3A_30 = arith.constant 2 : i32
      %mul3A_31 = arith.muli %mul3A_30, %scan3A_29 : i32
      %add3A_32 = arith.constant 1 : i32
      %add3A_33 = arith.addi %mul3A_31, %add3A_32 : i32
      %add3A_34 = arith.addi %mul3A_2, %add3A_33 : i32
      %mul3A_35 = arith.constant 1632 : i32
      %mul3A_36 = arith.muli %add3A_34, %mul3A_35 : i32
      %dma_wait3A_37 = tpu.memref_slice %arg2[%mul3A_36] : memref<1671168xi32, #tpu.memory_space<hbm>> -> memref<1632xi32, #tpu.memory_space<hbm>>
      %dma_wait3A_38 = tpu.memref_slice %arg2[%mul3A_36] : memref<1671168xi32, #tpu.memory_space<hbm>> -> memref<1632xi32, #tpu.memory_space<hbm>>
      tpu.wait_dma2 semaphore(%arg13 : memref<!tpu.dma_semaphore, #tpu.memory_space<semaphore_mem>>) src(%dma_wait3A_38 : memref<1632xi32, #tpu.memory_space<hbm>>) dst(%arg6 : memref<1632xi32, #tpu.memory_space<vmem>>)
      %dma_start3A_39 = arith.constant 0 : i32
      %dma_start3A_40 = arith.constant 0 : i32
      %dma_start3A_41 = tpu.memref_slice %arg9[%dma_start3A_39, %dma_start3A_40] : memref<418x32xf32, #tpu.memory_space<vmem_shared>> -> memref<418x32xf32, #tpu.memory_space<vmem_shared>>
      tpu.enqueue_indirect_dma source(%dma_start3A_41 : memref<418x32xf32, #tpu.memory_space<vmem_shared>>) target(%arg8 : memref<1632x32xf32, #tpu.memory_space<vmem>>) offsets(%arg6 : memref<1632xi32, #tpu.memory_space<vmem>>) semaphore(%arg11 : memref<!tpu.dma_semaphore, #tpu.memory_space<semaphore_mem>>)
      %dma_wait3A_42 = arith.constant 0 : i32
      %dma_wait3A_43 = arith.constant 0 : i32
      %dma_wait3A_44 = tpu.memref_slice %arg9[%dma_wait3A_42, %dma_wait3A_43] : memref<418x32xf32, #tpu.memory_space<vmem_shared>> -> memref<418x32xf32, #tpu.memory_space<vmem_shared>>
      tpu.wait_indirect_dma semaphore(%arg10 : memref<!tpu.dma_semaphore, #tpu.memory_space<semaphore_mem>>) src(%dma_wait3A_44 : memref<418x32xf32, #tpu.memory_space<vmem_shared>>) dst(%arg7 : memref<1632x32xf32, #tpu.memory_space<vmem>>)
      %add3A_45 = arith.addi %mul3A_2, %mul3A_31 : i32
      %mul3A_46 = arith.constant 408 : i32
      %mul3A_47 = arith.muli %add3A_45, %mul3A_46 : i32
      %dma_start3A_48 = arith.constant 0 : i32
      %dma_start3A_49 = arith.constant 0 : i32
      %dma_start3A_50 = tpu.memref_slice %arg7[%dma_start3A_48, %dma_start3A_49] : memref<1632x32xf32, #tpu.memory_space<vmem>> -> memref<408x32xf32, #tpu.memory_space<vmem>>
      %dma_start3A_51 = arith.constant 0 : i32
      %dma_start3A_52 = tpu.memref_slice %arg4[%mul3A_47, %dma_start3A_51] : memref<417792x128xf32, #tpu.memory_space<hbm>> -> memref<408x32xf32, #tpu.memory_space<hbm>>
      %dma_start3A_53 = arith.constant 0 : i32
      %dma_start3A_54 = tpu.memref_slice %arg4[%mul3A_47, %dma_start3A_53] : memref<417792x128xf32, #tpu.memory_space<hbm>> -> memref<408x32xf32, #tpu.memory_space<hbm>>
      %dma_start3A_55 = arith.constant 0 : i32
      %dma_start3A_56 = arith.constant 0 : i32
      %dma_start3A_57 = tpu.memref_slice %arg7[%dma_start3A_55, %dma_start3A_56] : memref<1632x32xf32, #tpu.memory_space<vmem>> -> memref<408x32xf32, #tpu.memory_space<vmem>>
      tpu.enqueue_dma source(%dma_start3A_57 : memref<408x32xf32, #tpu.memory_space<vmem>>) target(%dma_start3A_54 : memref<408x32xf32, #tpu.memory_space<hbm>>) target_semaphore(%arg10 : memref<!tpu.dma_semaphore, #tpu.memory_space<semaphore_mem>>)
      %dma_start3A_58 = arith.constant 408 : i32
      %dma_start3A_59 = arith.constant 0 : i32
      %dma_start3A_60 = tpu.memref_slice %arg7[%dma_start3A_58, %dma_start3A_59] : memref<1632x32xf32, #tpu.memory_space<vmem>> -> memref<408x32xf32, #tpu.memory_space<vmem>>
      %dma_start3A_61 = arith.constant 32 : i32
      %dma_start3A_62 = tpu.memref_slice %arg4[%mul3A_47, %dma_start3A_61] : memref<417792x128xf32, #tpu.memory_space<hbm>> -> memref<408x32xf32, #tpu.memory_space<hbm>>
      %dma_start3A_63 = arith.constant 32 : i32
      %dma_start3A_64 = tpu.memref_slice %arg4[%mul3A_47, %dma_start3A_63] : memref<417792x128xf32, #tpu.memory_space<hbm>> -> memref<408x32xf32, #tpu.memory_space<hbm>>
      %dma_start3A_65 = arith.constant 408 : i32
      %dma_start3A_66 = arith.constant 0 : i32
      %dma_start3A_67 = tpu.memref_slice %arg7[%dma_start3A_65, %dma_start3A_66] : memref<1632x32xf32, #tpu.memory_space<vmem>> -> memref<408x32xf32, #tpu.memory_space<vmem>>
      tpu.enqueue_dma source(%dma_start3A_67 : memref<408x32xf32, #tpu.memory_space<vmem>>) target(%dma_start3A_64 : memref<408x32xf32, #tpu.memory_space<hbm>>) target_semaphore(%arg10 : memref<!tpu.dma_semaphore, #tpu.memory_space<semaphore_mem>>)
      %dma_start3A_68 = arith.constant 816 : i32
      %dma_start3A_69 = arith.constant 0 : i32
      %dma_start3A_70 = tpu.memref_slice %arg7[%dma_start3A_68, %dma_start3A_69] : memref<1632x32xf32, #tpu.memory_space<vmem>> -> memref<408x32xf32, #tpu.memory_space<vmem>>
      %dma_start3A_71 = arith.constant 64 : i32
      %dma_start3A_72 = tpu.memref_slice %arg4[%mul3A_47, %dma_start3A_71] : memref<417792x128xf32, #tpu.memory_space<hbm>> -> memref<408x32xf32, #tpu.memory_space<hbm>>
      %dma_start3A_73 = arith.constant 64 : i32
      %dma_start3A_74 = tpu.memref_slice %arg4[%mul3A_47, %dma_start3A_73] : memref<417792x128xf32, #tpu.memory_space<hbm>> -> memref<408x32xf32, #tpu.memory_space<hbm>>
      %dma_start3A_75 = arith.constant 816 : i32
      %dma_start3A_76 = arith.constant 0 : i32
      %dma_start3A_77 = tpu.memref_slice %arg7[%dma_start3A_75, %dma_start3A_76] : memref<1632x32xf32, #tpu.memory_space<vmem>> -> memref<408x32xf32, #tpu.memory_space<vmem>>
      tpu.enqueue_dma source(%dma_start3A_77 : memref<408x32xf32, #tpu.memory_space<vmem>>) target(%dma_start3A_74 : memref<408x32xf32, #tpu.memory_space<hbm>>) target_semaphore(%arg10 : memref<!tpu.dma_semaphore, #tpu.memory_space<semaphore_mem>>)
      %dma_start3A_78 = arith.constant 1224 : i32
      %dma_start3A_79 = arith.constant 0 : i32
      %dma_start3A_80 = tpu.memref_slice %arg7[%dma_start3A_78, %dma_start3A_79] : memref<1632x32xf32, #tpu.memory_space<vmem>> -> memref<408x32xf32, #tpu.memory_space<vmem>>
      %dma_start3A_81 = arith.constant 96 : i32
      %dma_start3A_82 = tpu.memref_slice %arg4[%mul3A_47, %dma_start3A_81] : memref<417792x128xf32, #tpu.memory_space<hbm>> -> memref<408x32xf32, #tpu.memory_space<hbm>>
      %dma_start3A_83 = arith.constant 96 : i32
      %dma_start3A_84 = tpu.memref_slice %arg4[%mul3A_47, %dma_start3A_83] : memref<417792x128xf32, #tpu.memory_space<hbm>> -> memref<408x32xf32, #tpu.memory_space<hbm>>
      %dma_start3A_85 = arith.constant 1224 : i32
      %dma_start3A_86 = arith.constant 0 : i32
      %dma_start3A_87 = tpu.memref_slice %arg7[%dma_start3A_85, %dma_start3A_86] : memref<1632x32xf32, #tpu.memory_space<vmem>> -> memref<408x32xf32, #tpu.memory_space<vmem>>
      tpu.enqueue_dma source(%dma_start3A_87 : memref<408x32xf32, #tpu.memory_space<vmem>>) target(%dma_start3A_84 : memref<408x32xf32, #tpu.memory_space<hbm>>) target_semaphore(%arg10 : memref<!tpu.dma_semaphore, #tpu.memory_space<semaphore_mem>>)
      %add3A_88 = arith.addi %mul3A_2, %mul3A_31 : i32
      %mul3A_89 = arith.constant 408 : i32
      %mul3A_90 = arith.muli %add3A_88, %mul3A_89 : i32
      %dma_wait3A_91 = arith.constant 0 : i32
      %dma_wait3A_92 = arith.constant 0 : i32
      %dma_wait3A_93 = tpu.memref_slice %arg7[%dma_wait3A_91, %dma_wait3A_92] : memref<1632x32xf32, #tpu.memory_space<vmem>> -> memref<408x32xf32, #tpu.memory_space<vmem>>
      %dma_wait3A_94 = arith.constant 0 : i32
      %dma_wait3A_95 = tpu.memref_slice %arg4[%mul3A_90, %dma_wait3A_94] : memref<417792x128xf32, #tpu.memory_space<hbm>> -> memref<408x32xf32, #tpu.memory_space<hbm>>
      %dma_wait3A_96 = arith.constant 0 : i32
      %dma_wait3A_97 = tpu.memref_slice %arg4[%mul3A_90, %dma_wait3A_96] : memref<417792x128xf32, #tpu.memory_space<hbm>> -> memref<408x32xf32, #tpu.memory_space<hbm>>
      %dma_wait3A_98 = arith.constant 0 : i32
      %dma_wait3A_99 = arith.constant 0 : i32
      %dma_wait3A_100 = tpu.memref_slice %arg7[%dma_wait3A_98, %dma_wait3A_99] : memref<1632x32xf32, #tpu.memory_space<vmem>> -> memref<408x32xf32, #tpu.memory_space<vmem>>
      tpu.wait_dma2 semaphore(%arg10 : memref<!tpu.dma_semaphore, #tpu.memory_space<semaphore_mem>>) src(%dma_wait3A_100 : memref<408x32xf32, #tpu.memory_space<vmem>>) dst(%dma_wait3A_97 : memref<408x32xf32, #tpu.memory_space<hbm>>)
      %dma_wait3A_101 = arith.constant 408 : i32
      %dma_wait3A_102 = arith.constant 0 : i32
      %dma_wait3A_103 = tpu.memref_slice %arg7[%dma_wait3A_101, %dma_wait3A_102] : memref<1632x32xf32, #tpu.memory_space<vmem>> -> memref<408x32xf32, #tpu.memory_space<vmem>>
      %dma_wait3A_104 = arith.constant 32 : i32
      %dma_wait3A_105 = tpu.memref_slice %arg4[%mul3A_90, %dma_wait3A_104] : memref<417792x128xf32, #tpu.memory_space<hbm>> -> memref<408x32xf32, #tpu.memory_space<hbm>>
      %dma_wait3A_106 = arith.constant 32 : i32
      %dma_wait3A_107 = tpu.memref_slice %arg4[%mul3A_90, %dma_wait3A_106] : memref<417792x128xf32, #tpu.memory_space<hbm>> -> memref<408x32xf32, #tpu.memory_space<hbm>>
      %dma_wait3A_108 = arith.constant 408 : i32
      %dma_wait3A_109 = arith.constant 0 : i32
      %dma_wait3A_110 = tpu.memref_slice %arg7[%dma_wait3A_108, %dma_wait3A_109] : memref<1632x32xf32, #tpu.memory_space<vmem>> -> memref<408x32xf32, #tpu.memory_space<vmem>>
      tpu.wait_dma2 semaphore(%arg10 : memref<!tpu.dma_semaphore, #tpu.memory_space<semaphore_mem>>) src(%dma_wait3A_110 : memref<408x32xf32, #tpu.memory_space<vmem>>) dst(%dma_wait3A_107 : memref<408x32xf32, #tpu.memory_space<hbm>>)
      %dma_wait3A_111 = arith.constant 816 : i32
      %dma_wait3A_112 = arith.constant 0 : i32
      %dma_wait3A_113 = tpu.memref_slice %arg7[%dma_wait3A_111, %dma_wait3A_112] : memref<1632x32xf32, #tpu.memory_space<vmem>> -> memref<408x32xf32, #tpu.memory_space<vmem>>
      %dma_wait3A_114 = arith.constant 64 : i32
      %dma_wait3A_115 = tpu.memref_slice %arg4[%mul3A_90, %dma_wait3A_114] : memref<417792x128xf32, #tpu.memory_space<hbm>> -> memref<408x32xf32, #tpu.memory_space<hbm>>
      %dma_wait3A_116 = arith.constant 64 : i32
      %dma_wait3A_117 = tpu.memref_slice %arg4[%mul3A_90, %dma_wait3A_116] : memref<417792x128xf32, #tpu.memory_space<hbm>> -> memref<408x32xf32, #tpu.memory_space<hbm>>
      %dma_wait3A_118 = arith.constant 816 : i32
      %dma_wait3A_119 = arith.constant 0 : i32
      %dma_wait3A_120 = tpu.memref_slice %arg7[%dma_wait3A_118, %dma_wait3A_119] : memref<1632x32xf32, #tpu.memory_space<vmem>> -> memref<408x32xf32, #tpu.memory_space<vmem>>
      tpu.wait_dma2 semaphore(%arg10 : memref<!tpu.dma_semaphore, #tpu.memory_space<semaphore_mem>>) src(%dma_wait3A_120 : memref<408x32xf32, #tpu.memory_space<vmem>>) dst(%dma_wait3A_117 : memref<408x32xf32, #tpu.memory_space<hbm>>)
      %dma_wait3A_121 = arith.constant 1224 : i32
      %dma_wait3A_122 = arith.constant 0 : i32
      %dma_wait3A_123 = tpu.memref_slice %arg7[%dma_wait3A_121, %dma_wait3A_122] : memref<1632x32xf32, #tpu.memory_space<vmem>> -> memref<408x32xf32, #tpu.memory_space<vmem>>
      %dma_wait3A_124 = arith.constant 96 : i32
      %dma_wait3A_125 = tpu.memref_slice %arg4[%mul3A_90, %dma_wait3A_124] : memref<417792x128xf32, #tpu.memory_space<hbm>> -> memref<408x32xf32, #tpu.memory_space<hbm>>
      %dma_wait3A_126 = arith.constant 96 : i32
      %dma_wait3A_127 = tpu.memref_slice %arg4[%mul3A_90, %dma_wait3A_126] : memref<417792x128xf32, #tpu.memory_space<hbm>> -> memref<408x32xf32, #tpu.memory_space<hbm>>
      %dma_wait3A_128 = arith.constant 1224 : i32
      %dma_wait3A_129 = arith.constant 0 : i32
      %dma_wait3A_130 = tpu.memref_slice %arg7[%dma_wait3A_128, %dma_wait3A_129] : memref<1632x32xf32, #tpu.memory_space<vmem>> -> memref<408x32xf32, #tpu.memory_space<vmem>>
      tpu.wait_dma2 semaphore(%arg10 : memref<!tpu.dma_semaphore, #tpu.memory_space<semaphore_mem>>) src(%dma_wait3A_130 : memref<408x32xf32, #tpu.memory_space<vmem>>) dst(%dma_wait3A_127 : memref<408x32xf32, #tpu.memory_space<hbm>>)
      %lt3A = arith.constant 15 : i32
      %lt3A_131 = arith.cmpi slt, %scan3A_29, %lt3A : i32
      %convert_element_type3A_132 = arith.extui %lt3A_131 : i1 to i32
      %cond3A_133 = arith.constant 0 : i32
      %cond3A_134 = arith.cmpi ne, %convert_element_type3A_132, %cond3A_133 : i32
      scf.if %cond3A_134 {
        %add3A_226 = arith.constant 2 : i32
        %add3A_227 = arith.addi %mul3A_31, %add3A_226 : i32
        %add3A_228 = arith.addi %mul3A_2, %add3A_227 : i32
        %mul3A_229 = arith.constant 1632 : i32
        %mul3A_230 = arith.muli %add3A_228, %mul3A_229 : i32
        %dma_start3A_231 = tpu.memref_slice %arg2[%mul3A_230] : memref<1671168xi32, #tpu.memory_space<hbm>> -> memref<1632xi32, #tpu.memory_space<hbm>>
        %dma_start3A_232 = tpu.memref_slice %arg2[%mul3A_230] : memref<1671168xi32, #tpu.memory_space<hbm>> -> memref<1632xi32, #tpu.memory_space<hbm>>
        tpu.enqueue_dma source(%dma_start3A_232 : memref<1632xi32, #tpu.memory_space<hbm>>) target(%arg5 : memref<1632xi32, #tpu.memory_space<vmem>>) target_semaphore(%arg12 : memref<!tpu.dma_semaphore, #tpu.memory_space<semaphore_mem>>)
        %add3A_233 = arith.constant 2 : i32
        %add3A_234 = arith.addi %mul3A_31, %add3A_233 : i32
        %add3A_235 = arith.addi %mul3A_2, %add3A_234 : i32
        %mul3A_236 = arith.constant 1632 : i32
        %mul3A_237 = arith.muli %add3A_235, %mul3A_236 : i32
        %dma_wait3A_238 = tpu.memref_slice %arg2[%mul3A_237] : memref<1671168xi32, #tpu.memory_space<hbm>> -> memref<1632xi32, #tpu.memory_space<hbm>>
        %dma_wait3A_239 = tpu.memref_slice %arg2[%mul3A_237] : memref<1671168xi32, #tpu.memory_space<hbm>> -> memref<1632xi32, #tpu.memory_space<hbm>>
        tpu.wait_dma2 semaphore(%arg12 : memref<!tpu.dma_semaphore, #tpu.memory_space<semaphore_mem>>) src(%dma_wait3A_239 : memref<1632xi32, #tpu.memory_space<hbm>>) dst(%arg5 : memref<1632xi32, #tpu.memory_space<vmem>>)
        %dma_start3A_240 = arith.constant 0 : i32
        %dma_start3A_241 = arith.constant 0 : i32
        %dma_start3A_242 = tpu.memref_slice %arg9[%dma_start3A_240, %dma_start3A_241] : memref<418x32xf32, #tpu.memory_space<vmem_shared>> -> memref<418x32xf32, #tpu.memory_space<vmem_shared>>
        tpu.enqueue_indirect_dma source(%dma_start3A_242 : memref<418x32xf32, #tpu.memory_space<vmem_shared>>) target(%arg7 : memref<1632x32xf32, #tpu.memory_space<vmem>>) offsets(%arg5 : memref<1632xi32, #tpu.memory_space<vmem>>) semaphore(%arg10 : memref<!tpu.dma_semaphore, #tpu.memory_space<semaphore_mem>>)
        %add3A_243 = arith.constant 3 : i32
        %add3A_244 = arith.addi %mul3A_31, %add3A_243 : i32
        %add3A_245 = arith.addi %mul3A_2, %add3A_244 : i32
        %mul3A_246 = arith.constant 1632 : i32
        %mul3A_247 = arith.muli %add3A_245, %mul3A_246 : i32
        %dma_start3A_248 = tpu.memref_slice %arg2[%mul3A_247] : memref<1671168xi32, #tpu.memory_space<hbm>> -> memref<1632xi32, #tpu.memory_space<hbm>>
        %dma_start3A_249 = tpu.memref_slice %arg2[%mul3A_247] : memref<1671168xi32, #tpu.memory_space<hbm>> -> memref<1632xi32, #tpu.memory_space<hbm>>
        tpu.enqueue_dma source(%dma_start3A_249 : memref<1632xi32, #tpu.memory_space<hbm>>) target(%arg6 : memref<1632xi32, #tpu.memory_space<vmem>>) target_semaphore(%arg13 : memref<!tpu.dma_semaphore, #tpu.memory_space<semaphore_mem>>)
      } else {
      }
      %dma_wait3A_135 = arith.constant 0 : i32
      %dma_wait3A_136 = arith.constant 0 : i32
      %dma_wait3A_137 = tpu.memref_slice %arg9[%dma_wait3A_135, %dma_wait3A_136] : memref<418x32xf32, #tpu.memory_space<vmem_shared>> -> memref<418x32xf32, #tpu.memory_space<vmem_shared>>
      tpu.wait_indirect_dma semaphore(%arg11 : memref<!tpu.dma_semaphore, #tpu.memory_space<semaphore_mem>>) src(%dma_wait3A_137 : memref<418x32xf32, #tpu.memory_space<vmem_shared>>) dst(%arg8 : memref<1632x32xf32, #tpu.memory_space<vmem>>)
      %add3A_138 = arith.constant 1 : i32
      %add3A_139 = arith.addi %mul3A_31, %add3A_138 : i32
      %add3A_140 = arith.addi %mul3A_2, %add3A_139 : i32
      %mul3A_141 = arith.constant 408 : i32
      %mul3A_142 = arith.muli %add3A_140, %mul3A_141 : i32
      %dma_start3A_143 = arith.constant 0 : i32
      %dma_start3A_144 = arith.constant 0 : i32
      %dma_start3A_145 = tpu.memref_slice %arg8[%dma_start3A_143, %dma_start3A_144] : memref<1632x32xf32, #tpu.memory_space<vmem>> -> memref<408x32xf32, #tpu.memory_space<vmem>>
      %dma_start3A_146 = arith.constant 0 : i32
      %dma_start3A_147 = tpu.memref_slice %arg4[%mul3A_142, %dma_start3A_146] : memref<417792x128xf32, #tpu.memory_space<hbm>> -> memref<408x32xf32, #tpu.memory_space<hbm>>
      %dma_start3A_148 = arith.constant 0 : i32
      %dma_start3A_149 = tpu.memref_slice %arg4[%mul3A_142, %dma_start3A_148] : memref<417792x128xf32, #tpu.memory_space<hbm>> -> memref<408x32xf32, #tpu.memory_space<hbm>>
      %dma_start3A_150 = arith.constant 0 : i32
      %dma_start3A_151 = arith.constant 0 : i32
      %dma_start3A_152 = tpu.memref_slice %arg8[%dma_start3A_150, %dma_start3A_151] : memref<1632x32xf32, #tpu.memory_space<vmem>> -> memref<408x32xf32, #tpu.memory_space<vmem>>
      tpu.enqueue_dma source(%dma_start3A_152 : memref<408x32xf32, #tpu.memory_space<vmem>>) target(%dma_start3A_149 : memref<408x32xf32, #tpu.memory_space<hbm>>) target_semaphore(%arg11 : memref<!tpu.dma_semaphore, #tpu.memory_space<semaphore_mem>>)
      %dma_start3A_153 = arith.constant 408 : i32
      %dma_start3A_154 = arith.constant 0 : i32
      %dma_start3A_155 = tpu.memref_slice %arg8[%dma_start3A_153, %dma_start3A_154] : memref<1632x32xf32, #tpu.memory_space<vmem>> -> memref<408x32xf32, #tpu.memory_space<vmem>>
      %dma_start3A_156 = arith.constant 32 : i32
      %dma_start3A_157 = tpu.memref_slice %arg4[%mul3A_142, %dma_start3A_156] : memref<417792x128xf32, #tpu.memory_space<hbm>> -> memref<408x32xf32, #tpu.memory_space<hbm>>
      %dma_start3A_158 = arith.constant 32 : i32
      %dma_start3A_159 = tpu.memref_slice %arg4[%mul3A_142, %dma_start3A_158] : memref<417792x128xf32, #tpu.memory_space<hbm>> -> memref<408x32xf32, #tpu.memory_space<hbm>>
      %dma_start3A_160 = arith.constant 408 : i32
      %dma_start3A_161 = arith.constant 0 : i32
      %dma_start3A_162 = tpu.memref_slice %arg8[%dma_start3A_160, %dma_start3A_161] : memref<1632x32xf32, #tpu.memory_space<vmem>> -> memref<408x32xf32, #tpu.memory_space<vmem>>
      tpu.enqueue_dma source(%dma_start3A_162 : memref<408x32xf32, #tpu.memory_space<vmem>>) target(%dma_start3A_159 : memref<408x32xf32, #tpu.memory_space<hbm>>) target_semaphore(%arg11 : memref<!tpu.dma_semaphore, #tpu.memory_space<semaphore_mem>>)
      %dma_start3A_163 = arith.constant 816 : i32
      %dma_start3A_164 = arith.constant 0 : i32
      %dma_start3A_165 = tpu.memref_slice %arg8[%dma_start3A_163, %dma_start3A_164] : memref<1632x32xf32, #tpu.memory_space<vmem>> -> memref<408x32xf32, #tpu.memory_space<vmem>>
      %dma_start3A_166 = arith.constant 64 : i32
      %dma_start3A_167 = tpu.memref_slice %arg4[%mul3A_142, %dma_start3A_166] : memref<417792x128xf32, #tpu.memory_space<hbm>> -> memref<408x32xf32, #tpu.memory_space<hbm>>
      %dma_start3A_168 = arith.constant 64 : i32
      %dma_start3A_169 = tpu.memref_slice %arg4[%mul3A_142, %dma_start3A_168] : memref<417792x128xf32, #tpu.memory_space<hbm>> -> memref<408x32xf32, #tpu.memory_space<hbm>>
      %dma_start3A_170 = arith.constant 816 : i32
      %dma_start3A_171 = arith.constant 0 : i32
      %dma_start3A_172 = tpu.memref_slice %arg8[%dma_start3A_170, %dma_start3A_171] : memref<1632x32xf32, #tpu.memory_space<vmem>> -> memref<408x32xf32, #tpu.memory_space<vmem>>
      tpu.enqueue_dma source(%dma_start3A_172 : memref<408x32xf32, #tpu.memory_space<vmem>>) target(%dma_start3A_169 : memref<408x32xf32, #tpu.memory_space<hbm>>) target_semaphore(%arg11 : memref<!tpu.dma_semaphore, #tpu.memory_space<semaphore_mem>>)
      %dma_start3A_173 = arith.constant 1224 : i32
      %dma_start3A_174 = arith.constant 0 : i32
      %dma_start3A_175 = tpu.memref_slice %arg8[%dma_start3A_173, %dma_start3A_174] : memref<1632x32xf32, #tpu.memory_space<vmem>> -> memref<408x32xf32, #tpu.memory_space<vmem>>
      %dma_start3A_176 = arith.constant 96 : i32
      %dma_start3A_177 = tpu.memref_slice %arg4[%mul3A_142, %dma_start3A_176] : memref<417792x128xf32, #tpu.memory_space<hbm>> -> memref<408x32xf32, #tpu.memory_space<hbm>>
      %dma_start3A_178 = arith.constant 96 : i32
      %dma_start3A_179 = tpu.memref_slice %arg4[%mul3A_142, %dma_start3A_178] : memref<417792x128xf32, #tpu.memory_space<hbm>> -> memref<408x32xf32, #tpu.memory_space<hbm>>
      %dma_start3A_180 = arith.constant 1224 : i32
      %dma_start3A_181 = arith.constant 0 : i32
      %dma_start3A_182 = tpu.memref_slice %arg8[%dma_start3A_180, %dma_start3A_181] : memref<1632x32xf32, #tpu.memory_space<vmem>> -> memref<408x32xf32, #tpu.memory_space<vmem>>
      tpu.enqueue_dma source(%dma_start3A_182 : memref<408x32xf32, #tpu.memory_space<vmem>>) target(%dma_start3A_179 : memref<408x32xf32, #tpu.memory_space<hbm>>) target_semaphore(%arg11 : memref<!tpu.dma_semaphore, #tpu.memory_space<semaphore_mem>>)
      %add3A_183 = arith.addi %mul3A_2, %add3A_139 : i32
      %mul3A_184 = arith.constant 408 : i32
      %mul3A_185 = arith.muli %add3A_183, %mul3A_184 : i32
      %dma_wait3A_186 = arith.constant 0 : i32
      %dma_wait3A_187 = arith.constant 0 : i32
      %dma_wait3A_188 = tpu.memref_slice %arg8[%dma_wait3A_186, %dma_wait3A_187] : memref<1632x32xf32, #tpu.memory_space<vmem>> -> memref<408x32xf32, #tpu.memory_space<vmem>>
      %dma_wait3A_189 = arith.constant 0 : i32
      %dma_wait3A_190 = tpu.memref_slice %arg4[%mul3A_185, %dma_wait3A_189] : memref<417792x128xf32, #tpu.memory_space<hbm>> -> memref<408x32xf32, #tpu.memory_space<hbm>>
      %dma_wait3A_191 = arith.constant 0 : i32
      %dma_wait3A_192 = tpu.memref_slice %arg4[%mul3A_185, %dma_wait3A_191] : memref<417792x128xf32, #tpu.memory_space<hbm>> -> memref<408x32xf32, #tpu.memory_space<hbm>>
      %dma_wait3A_193 = arith.constant 0 : i32
      %dma_wait3A_194 = arith.constant 0 : i32
      %dma_wait3A_195 = tpu.memref_slice %arg8[%dma_wait3A_193, %dma_wait3A_194] : memref<1632x32xf32, #tpu.memory_space<vmem>> -> memref<408x32xf32, #tpu.memory_space<vmem>>
      tpu.wait_dma2 semaphore(%arg11 : memref<!tpu.dma_semaphore, #tpu.memory_space<semaphore_mem>>) src(%dma_wait3A_195 : memref<408x32xf32, #tpu.memory_space<vmem>>) dst(%dma_wait3A_192 : memref<408x32xf32, #tpu.memory_space<hbm>>)
      %dma_wait3A_196 = arith.constant 408 : i32
      %dma_wait3A_197 = arith.constant 0 : i32
      %dma_wait3A_198 = tpu.memref_slice %arg8[%dma_wait3A_196, %dma_wait3A_197] : memref<1632x32xf32, #tpu.memory_space<vmem>> -> memref<408x32xf32, #tpu.memory_space<vmem>>
      %dma_wait3A_199 = arith.constant 32 : i32
      %dma_wait3A_200 = tpu.memref_slice %arg4[%mul3A_185, %dma_wait3A_199] : memref<417792x128xf32, #tpu.memory_space<hbm>> -> memref<408x32xf32, #tpu.memory_space<hbm>>
      %dma_wait3A_201 = arith.constant 32 : i32
      %dma_wait3A_202 = tpu.memref_slice %arg4[%mul3A_185, %dma_wait3A_201] : memref<417792x128xf32, #tpu.memory_space<hbm>> -> memref<408x32xf32, #tpu.memory_space<hbm>>
      %dma_wait3A_203 = arith.constant 408 : i32
      %dma_wait3A_204 = arith.constant 0 : i32
      %dma_wait3A_205 = tpu.memref_slice %arg8[%dma_wait3A_203, %dma_wait3A_204] : memref<1632x32xf32, #tpu.memory_space<vmem>> -> memref<408x32xf32, #tpu.memory_space<vmem>>
      tpu.wait_dma2 semaphore(%arg11 : memref<!tpu.dma_semaphore, #tpu.memory_space<semaphore_mem>>) src(%dma_wait3A_205 : memref<408x32xf32, #tpu.memory_space<vmem>>) dst(%dma_wait3A_202 : memref<408x32xf32, #tpu.memory_space<hbm>>)
      %dma_wait3A_206 = arith.constant 816 : i32
      %dma_wait3A_207 = arith.constant 0 : i32
      %dma_wait3A_208 = tpu.memref_slice %arg8[%dma_wait3A_206, %dma_wait3A_207] : memref<1632x32xf32, #tpu.memory_space<vmem>> -> memref<408x32xf32, #tpu.memory_space<vmem>>
      %dma_wait3A_209 = arith.constant 64 : i32
      %dma_wait3A_210 = tpu.memref_slice %arg4[%mul3A_185, %dma_wait3A_209] : memref<417792x128xf32, #tpu.memory_space<hbm>> -> memref<408x32xf32, #tpu.memory_space<hbm>>
      %dma_wait3A_211 = arith.constant 64 : i32
      %dma_wait3A_212 = tpu.memref_slice %arg4[%mul3A_185, %dma_wait3A_211] : memref<417792x128xf32, #tpu.memory_space<hbm>> -> memref<408x32xf32, #tpu.memory_space<hbm>>
      %dma_wait3A_213 = arith.constant 816 : i32
      %dma_wait3A_214 = arith.constant 0 : i32
      %dma_wait3A_215 = tpu.memref_slice %arg8[%dma_wait3A_213, %dma_wait3A_214] : memref<1632x32xf32, #tpu.memory_space<vmem>> -> memref<408x32xf32, #tpu.memory_space<vmem>>
      tpu.wait_dma2 semaphore(%arg11 : memref<!tpu.dma_semaphore, #tpu.memory_space<semaphore_mem>>) src(%dma_wait3A_215 : memref<408x32xf32, #tpu.memory_space<vmem>>) dst(%dma_wait3A_212 : memref<408x32xf32, #tpu.memory_space<hbm>>)
      %dma_wait3A_216 = arith.constant 1224 : i32
      %dma_wait3A_217 = arith.constant 0 : i32
      %dma_wait3A_218 = tpu.memref_slice %arg8[%dma_wait3A_216, %dma_wait3A_217] : memref<1632x32xf32, #tpu.memory_space<vmem>> -> memref<408x32xf32, #tpu.memory_space<vmem>>
      %dma_wait3A_219 = arith.constant 96 : i32
      %dma_wait3A_220 = tpu.memref_slice %arg4[%mul3A_185, %dma_wait3A_219] : memref<417792x128xf32, #tpu.memory_space<hbm>> -> memref<408x32xf32, #tpu.memory_space<hbm>>
      %dma_wait3A_221 = arith.constant 96 : i32
      %dma_wait3A_222 = tpu.memref_slice %arg4[%mul3A_185, %dma_wait3A_221] : memref<417792x128xf32, #tpu.memory_space<hbm>> -> memref<408x32xf32, #tpu.memory_space<hbm>>
      %dma_wait3A_223 = arith.constant 1224 : i32
      %dma_wait3A_224 = arith.constant 0 : i32
      %dma_wait3A_225 = tpu.memref_slice %arg8[%dma_wait3A_223, %dma_wait3A_224] : memref<1632x32xf32, #tpu.memory_space<vmem>> -> memref<408x32xf32, #tpu.memory_space<vmem>>
      tpu.wait_dma2 semaphore(%arg11 : memref<!tpu.dma_semaphore, #tpu.memory_space<semaphore_mem>>) src(%dma_wait3A_225 : memref<408x32xf32, #tpu.memory_space<vmem>>) dst(%dma_wait3A_222 : memref<408x32xf32, #tpu.memory_space<hbm>>)
    }
    %scan3A_28 = arith.constant 16 : i32
    return
  }
}

module attributes {stable_mosaic.version = 14 : i64} {
  func.func @_relayout_body(%arg0: i32, %arg1: memref<3264x128xf32, #tpu.memory_space<vmem>>, %arg2: memref<51x8x1024xf32, #tpu.memory_space<vmem>>) attributes {dimension_semantics = [#tpu.dimension_semantics<arbitrary>], iteration_bounds = array<i64: 128>, scalar_prefetch = 0 : i64, scratch_operands = 0 : i64, tpu.core_type = #tpu.core_type<tc>, window_params = [{transform_indices = @transform_0, window_bounds = array<i64: 3264, 128>}, {transform_indices = @transform_1, window_bounds = array<i64: 51, 8, 1024>}]} {
    %get3A = arith.constant 0 : index
    %get3A_0 = arith.constant 0 : index
    %get3A_1 = vector.load %arg1[%get3A, %get3A_0] : memref<3264x128xf32, #tpu.memory_space<vmem>>, vector<3264x128xf32>
    %reshape3A = vector.shape_cast %get3A_1 : vector<3264x128xf32> to vector<8x51x1024xf32>
    %transpose3A = tpu.transpose %reshape3A, [1, 0, 2] : vector<8x51x1024xf32> -> vector<51x8x1024xf32>
    %swap3A = arith.constant 0 : index
    %swap3A_2 = arith.constant 0 : index
    %swap3A_3 = arith.constant 0 : index
    %swap3A_4 = vector.load %arg2[%swap3A, %swap3A_2, %swap3A_3] : memref<51x8x1024xf32, #tpu.memory_space<vmem>>, vector<51x8x1024xf32>
    tpu.vector_store %arg2[%swap3A, %swap3A_2, %swap3A_3], %transpose3A {strides = array<i32>} : memref<51x8x1024xf32, #tpu.memory_space<vmem>>, vector<51x8x1024xf32>,
    return
  }
  func.func @transform_0(%arg0: i32) -> (i32, i32) {
    %c0_i32 = arith.constant 0 : i32
    %c0_i32_0 = arith.constant 0 : i32
    return %arg0, %c0_i32 : i32, i32
  }
  func.func @transform_1(%arg0: i32) -> (i32, i32, i32) {
    %c0_i32 = arith.constant 0 : i32
    %c0_i32_0 = arith.constant 0 : i32
    %c0_i32_1 = arith.constant 0 : i32
    return %c0_i32, %arg0, %c0_i32_0 : i32, i32, i32
  }
}

</mosaic_0001>

<sc_bundles>
// kernel: kernel.4.cloned.1.call-start
scs
__scs_entry_jumppad:
0x0: {  	(pc) =	sbr.rel $0x88, $3  }
0x1: {  	(tag) =	ssettag $0x0;
	lr =	simm.s32 $0x1  }
0x2: {  	[smem:$0x3F9E] =	sst lr;
	_ =	strace $0xD0000000  }
0x3: {  	_ = 	snop  }
0x4: {  	_ = 	snop  }
0x5: {  	_ = 	snop  }
0x6: {  	_ = 	snop  }
0x7: {  	_ = 	snop  }
__scs_overlays_trampoline_lowered:
0x8: {  	[smem:$0x3FAD] =	sst s0  }
0x9: {  	[smem:$0x3FAE] =	sst s1  }
0xa: {  	[smem:$0x3FAF] =	sst s2  }
0xb: {  	[smem:$0x3FB0] =	sst s3  }
0xc: {  	[smem:$0x3FB1] =	sst s4  }
0xd: {  	[smem:$0x3FB2] =	sst s5  }
0xe: {  	[smem:$0x3FB3] =	sst s6  }
0xf: {  	[smem:$0x3FB4] =	sst s7  }
0x10: {  	[smem:$0x3FB5] =	sst s8  }
0x11: {  	[smem:$0x3FB6] =	sst s9;
	s0 =	simm.s32 @!p0 $0x0  }
0x12: {  	s1 =	sld [smem:$0x3F9C];
	s0 =	simm.s32 @p0 $0x1  }
0x13: {  	[smem:$0x3FB7] =	sst s0;
	s0 =	simm.s32 @!p1 $0x0  }
0x14: {  	s2 =	sld [smem:$0x3F9B];
	s0 =	simm.s32 @p1 $0x1  }
0x15: {  	[smem:$0x3FB8] =	sst s0;
	s0 =	simm.s32 @!p2 $0x0  }
0x16: {  	s3 =	sld [smem:$0x3FDB];
	s0 =	simm.s32 @p2 $0x1  }
0x17: {  	s4 =	simm.s32 $0x1BF5;
	[smem:$0x3FBA] =	sst s0  }
0x18: {  	s0 =	sld [smem:$0x3F9D];
	_ =	swait.ge [sflag:s4], $0x0  }
0x19: {  	s7 =	sld [smem:$0x3F9E]  }
0x1a: {  	s8 =	sadd.s32 $0xFFFFE003, lr  }
0x1b: {  	s9 =	sadd.s32 $0xFFFFFEF7, lr;
	s5 =	simm.s32 $0xFFFFFFFF;
	p2 =	slt.u32 s8, $0xFFFFF086  }
0x1c: {  	p1 =	slt.u32 s9, $0xF7A;
	s5 =	simm.s32 @!p2 $0x0  }
0x1d: {  	s5 =	simm.s32 @p1 $0x1;
	p0 =	seq.s32 s7, s2  }
0x1e: {  	s7 =	smul.u32 @!p0 $0xF7A, s2;
	p2 =	seq.s32 @!p0 s5, $0x0  }
0x1f: {  	s9 =	smul.u32 $0xF7A, s1;
	s8 =	simm.s32 @!p0 $0x1BF5;
	p2 =	por !p2, p0  }
0x20: {  	[sflag:s8] =	ssyncset.s32 @!p0 $0xFFFFF086;
	s6 =	sadd.s32 @!p0 s3, s7;
	s7 =	simm.s32 @!p0 $0x108  }
0x21: {  	s3 =	sadd.s32 s3, s9;
	s6 =	sadd.s32 @!p0 $0x88, s6;
	s7 =	simm.s32 @p2 $0x1082  }
0x22: {  	[simem:s7], [sflag:s8] =	dma.local @!p0 [hbm:s6], $0xF7A  }
0x23: {  	s9 =	sor.u32 $0xD0000000, s2;
	s6 =	simm.s32 $0x108;
	_ =	swait.ge @!p0 [sflag:s8], $0x0  }
0x24: {  	s3 =	sadd.s32 $0x88, s3;
	s6 =	simm.s32 @!p1 $0x1082;
	[sflag:s4] =	ssyncset.s32 $0xFFFFF086  }
0x25: {  	[simem:s6], [sflag:s4] =	dma.local [hbm:s3], $0xF7A  }
0x26: {  	[smem:$0x3F9E] =	sst s1;
	(tag) =	ssettag s2;
	_ =	strace s9  }
0x27: {  	s1 =	sld [smem:$0x3FAE]  }
0x28: {  	s2 =	sld [smem:$0x3FAF]  }
0x29: {  	s4 =	sld [smem:$0x3FB1]  }
0x2a: {  	p0 =	seq.s32 s5, $0x0;
	s5 =	sld [smem:$0x3FB2]  }
0x2b: {  	s6 =	sld [smem:$0x3FB3]  }
0x2c: {  	s7 =	sld [smem:$0x3FB4]  }
0x2d: {  	s3 =	simm.s32 $0x108;
	s8 =	sld [smem:$0x3FB5]  }
0x2e: {  	s3 =	simm.s32 @!p0 $0x1082;
	s9 =	sld [smem:$0x3FB6]  }
0x2f: {  	lr =	sadd.s32 s0, s3;
	s0 =	sld [smem:$0x3FAD]  }
0x30: {  	s3 =	sld [smem:$0x3FB0]  }
0x31: {  	[smem:$0x3FB9] =	sst s10  }
0x32: {  	s10 =	sld [smem:$0x3FB7];
	_ =	sdelay $0x3  }
0x33: {  	p0 =	seq.s32 s10, $0x1;
	s10 =	sld [smem:$0x3FB9];
	_ =	sdelay $0x3  }
0x34: {  	[smem:$0x3FB9] =	sst s10  }
0x35: {  	s10 =	sld [smem:$0x3FB8];
	_ =	sdelay $0x3  }
0x36: {  	p1 =	seq.s32 s10, $0x1;
	s10 =	sld [smem:$0x3FB9];
	_ =	sdelay $0x3  }
0x37: {  	[smem:$0x3FB9] =	sst s10  }
0x38: {  	s10 =	sld [smem:$0x3FBA]  }
0x39: {  	_ = 	snop;
	(pc) =	sbr.ind lr, $3  }
0x3a: {  	_ = 	snop  }
0x3b: {  	_ = 	snop  }
0x3c: {  	p2 =	seq.s32 s10, $0x1;
	s10 =	sld [smem:$0x3FB9]  }
0x3d: {  	_ =	shalt  }
0x3e: {  	_ =	shalt  }
0x3f: {  	_ =	shalt  }
0x40: {  	_ =	shalt  }
0x41: {  	_ =	shalt  }
0x42: {  	_ =	shalt  }
0x43: {  	_ =	shalt  }
0x44: {  	_ =	shalt  }
0x45: {  	_ =	shalt  }
0x46: {  	_ =	shalt  }
0x47: {  	_ =	shalt  }
0x48: {  	_ =	shalt  }
0x49: {  	_ =	shalt  }
0x4a: {  	_ =	shalt  }
0x4b: {  	_ =	shalt  }
0x4c: {  	_ =	shalt  }
0x4d: {  	_ =	shalt  }
0x4e: {  	_ =	shalt  }
0x4f: {  	_ =	shalt  }
0x50: {  	_ =	shalt  }
0x51: {  	_ =	shalt  }
0x52: {  	_ =	shalt  }
0x53: {  	_ =	shalt  }
0x54: {  	_ =	shalt  }
0x55: {  	_ =	shalt  }
0x56: {  	_ =	shalt  }
0x57: {  	_ =	shalt  }
0x58: {  	_ =	shalt  }
0x59: {  	_ =	shalt  }
0x5a: {  	_ =	shalt  }
0x5b: {  	_ =	shalt  }
0x5c: {  	_ =	shalt  }
0x5d: {  	_ =	shalt  }
0x5e: {  	_ =	shalt  }
0x5f: {  	_ =	shalt  }
0x60: {  	_ =	shalt  }
0x61: {  	_ =	shalt  }
0x62: {  	_ =	shalt  }
0x63: {  	_ =	shalt  }
0x64: {  	_ =	shalt  }
0x65: {  	_ =	shalt  }
0x66: {  	_ =	shalt  }
0x67: {  	_ =	shalt  }
0x68: {  	_ =	shalt  }
0x69: {  	_ =	shalt  }
0x6a: {  	_ =	shalt  }
0x6b: {  	_ =	shalt  }
0x6c: {  	_ =	shalt  }
0x6d: {  	_ =	shalt  }
0x6e: {  	_ =	shalt  }
0x6f: {  	_ =	shalt  }
0x70: {  	_ =	shalt  }
0x71: {  	_ =	shalt  }
0x72: {  	_ =	shalt  }
0x73: {  	_ =	shalt  }
0x74: {  	_ =	shalt  }
0x75: {  	_ =	shalt  }
0x76: {  	_ =	shalt  }
0x77: {  	_ =	shalt  }
0x78: {  	_ =	shalt  }
0x79: {  	_ =	shalt  }
0x7a: {  	_ =	shalt  }
0x7b: {  	_ =	shalt  }
0x7c: {  	_ =	shalt  }
0x7d: {  	_ =	shalt  }
0x7e: {  	_ =	shalt  }
0x7f: {  	_ =	shalt  }
0x80: {  	_ =	shalt  }
0x81: {  	_ =	shalt  }
0x82: {  	_ =	shalt  }
0x83: {  	_ =	shalt  }
0x84: {  	_ =	shalt  }
0x85: {  	_ =	shalt  }
0x86: {  	_ =	shalt  }
0x87: {  	_ =	shalt  }
.Lfunc_end0:
.L_simem_size_0:
called_computation_lowered:
.L_overlay_start_0:
0x88: {  	s2 =	sld [smem:$0x3FD9]  }
0x89: {  	s3 =	sld [smem:$0x3FFE];
	_ =	sdelay $0x1  }
0x8a: {  	s1 =	srdreg.scid  }
0x8b: {  	s0 =	sand.u32 $0x1, s1  }
0x8c: {  	s16 =	sshll.u32 s0, $0xA;
	s2 =	sadd.s32 s3, s2  }
0x8d: {  	s2 =	sadd.s32 s2, s16  }
0x8e: {  	[smem:$0x3FC5] =	sst s2  }
0x8f: {  	_ = 	snop  }
0x90: {  	(tm) =	ssettm $0x1  }
0x91: {  	s17 =	sld [smem:$0x3FFB];
	_ =	sdelay $0x3  }
0x92: {  	_ =	strace s17  }
0x93: {  	s2 =	sld [smem:$0x3FFC];
	_ =	sdelay $0x3  }
0x94: {  	_ =	strace s2  }
0x95: {  	s2 =	sld [smem:$0x3FFD];
	_ =	sdelay $0x3  }
0x96: {  	_ =	strace s2  }
0x97: {  	_ =	strace $0x8FFFFFFF  }
0x98: {  	s18 =	sld [smem:$0x3FDB];
	_ =	sdelay $0x1  }
0x99: {  	s19 =	simm.s32 $_scs_section_size  }
0x9a: {  	s4 =	simm.s32 $_size__tile_overlayer_lowered;
	s5 =	simm.s32 $_tile_overlayer_lowered  }
0x9b: {  	s22 =	simm.s32 $0x1BFF;
	s21 =	sshll.u32 s5, $0x1;
	s2 =	sadd.s32 s19, s18  }
0x9c: {  	s6 =	simm.s32 $0x0;
	s20 =	sshll.u32 s4, $0x1;
	s4 =	sadd.s32 s21, s2  }
0x9d: {  	[timem:s6], [sflag:s22] =	dma.local [hbm:s4], s20  }
0x9e: {  	_ =	swait.ge [sflag:s22], s20  }
0x9f: {  	s3 =	ssub.s32 $0x0, s20;
	[sflag:s22] =	ssyncset.done $0x0  }
0xa0: {  	[sflag:s22] =	ssyncadd.s32 s3;
	_ =	sdelay $0x1  }
0xa1: {  	s23 =	simm.s32 $0x1B8B  }
0xa2: {  	_ =	swait.ge [sflag:s23], $0x1  }
0xa3: {  	[sflag:s23] =	ssyncset.done $0x0  }
0xa4: {  	s25 =	simm.s32 $0x1B8E;
	s24 =	sld [smem:$0x3FFE];
	[sflag:s23] =	ssyncadd.s32 $0xFFFFFFFF  }
0xa5: {  	s26 =	simm.s32 $execute0_lowered;
	[smem:$0x3FD2] =	sst s25  }
0xa6: {  	s4 =	sshll.u32 s26, $0x1;
	_ =	strace $0x80000046;
	[dreg:$0x1] =	wrdreg $0xFFFFFFFF  }
0xa7: {  	s28 =	simm.s32 $_size_execute0_lowered;
	s2 =	sadd.s32 s2, s4;
	[dreg:$0x0] =	wrdreg $0x0  }
0xa8: {  	s4 =	sshll.u32 s28, $0x1;
	[dreg:$0x2] =	wrdreg s2  }
0xa9: {  	[dreg:$0x3] =	wrdreg s4  }
0xaa: {  	[dreg:$0x4] =	wrdreg $0xC0  }
0xab: {  	_ =	task [dreg:s6], $0x5FFFF  }
0xac: {  	[dreg:$0x1] =	wrdreg $0xFFFFFFFF  }
0xad: {  	[dreg:$0x0] =	wrdreg $0x60  }
0xae: {  	[dreg:$0x2] =	wrdreg s24  }
0xaf: {  	[dreg:$0x3] =	wrdreg $0x1A4C00  }
0xb0: {  	[dreg:$0x4] =	wrdreg $0x9  }
0xb1: {  	_ =	task.clear_ibuf [dreg:s6], $0x5FFFF;
	_ =	strace $0x90000046  }
0xb2: {  	s29 =	simm.s32 $0x9;
	_ =	strace $0x80000048  }
0xb3: {  	_ =	swait.ge [sflag:s29], $0x1  }
0xb4: {  	[sflag:s29] =	ssyncadd.s32 $0xFFFFFFFF  }
0xb5: {  	_ =	strace $0x90000048  }
0xb6: {  	_ =	sfence  }
0xb7: {  	s30 =	sld [smem:$0x0];
	_ =	sdelay $0x2  }
0xb8: {  	s31 =	sshll.u32 s1, $0xD;
	s1 =	sshrl.u32 s1, $0x2  }
0xb9: {  	s3 =	sand.u32 $0x4000, s31;
	s1 =	sadd.s32 s1, s30  }
0xba: {  	s0 =	sor.u32 s3, s0;
	s1 =	sshll.u32 s1, $0x11  }
0xbb: {  	s0 =	sor.u32 s1, s0  }
0xbc: {  	s0 =	sadd.s32 $0x8F2B, s0  }
0xbd: {  	[sflag:s0] =	ssyncadd.remote.s32 $0x1  }
0xbe: {  	_ =	sfence.sel $0xFFFF  }
0xbf: {  	[dreg:$0x0] =	wrdreg $0xFFFFFFFF;
	(pc) =	sbr.abs _section_cstart, $3  }
0xc0: {  	[dreg:$0x1] =	wrdreg $0xFFFFFFFF  }
0xc1: {  	_ =	task.clear_ibuf [dreg:s6], $0x2FFFF;
	_ =	strace $0x9FFFFFFF  }
0xc2: {  	(tm) =	ssettm $0x7FFFFFFF  }
0xc3: {  	_ =	shalt  }
tec
execute0_lowered:
.L_overlay_start_1:
0x0: {  	(tag) =	ssettag $0x1  }
0x1: {  	s0 =	rddreg [dreg:$0x0]  }
0x2: {  	s2 =	rddreg [dreg:$0x1]  }
0x3: {  	s8 =	stileid.u32;
	s4 =	srdreg.scid  }
0x4: {  	s3 =	simm.s32 $0x0;
	s14 =	simm.s32 $0xD8C0;
	s15 =	simm.s32 $0x1  }
0x5: {  	s16 =	simm.s32 $0x20;
	s17 =	simm.s32 $0x80;
	s18 =	simm.s32 $0x3FC0  }
0x6: {  	s19 =	simm.s32 $0x72C0;
	s20 =	simm.s32 $0xA5C0;
	s21 =	simm.s32 $0x2  }
0x7: {  	s22 =	simm.s32 $0x10BC0;
	s23 =	simm.s32 $0x13EC0;
	s24 =	simm.s32 $0x171C0  }
0x8: {  	s25 =	simm.s32 $0x0;
	s6 =	sand.u32 $0x1, s4;
	s5 =	smul.u32 $0x66000, s8  }
0x9: {  	s28 =	sshll.u32 s8, $0x1;
	[smem:$0x7FF] =	sst s3;
	s31 =	smul.u32 $0x3300, s8  }
0xa: {  	s7 =	sadd.s32 $0x800, s0;
	p0 =	sne.s32 s8, $0x0;
	s12 =	smul.u32 $0x33000, s6  }
0xb: {  	s4 =	sor.u32 s6, s28;
	s29 =	ssub.s32 $0x2, s6;
	s13 =	smul.u32 $0x1980, s6  }
0xc: {  	_ =	strace $0x80000047;
	s9 =	smul.u32 $0xCC00, s4;
	s11 =	sshrl.u32 s29, $0x1  }
0xd: {  	s10 =	sadd.s32 s5, s0;
	s4 =	smul.u32 $0x1980, s4;
	s11 =	ssub.s32 s29, s11  }
0xe: {  	s10 =	sadd.s32 s12, s10;
	s12 =	simm.s32 $0xCC0;
	s9 =	sshrl.u32 s9, $0x3  }
0xf: {  	s4 =	sadd.s32 s7, s4;
	s6 =	smax.u32 s11, $0x1;
	s11 =	simm.s32 $0x3  }
0x10: {  	s30 =	sadd.s32 s7, s9;
	s9 =	sadd.s32 s31, s7;
	s7 =	sadd.s32 $0x33800, s10  }
0x11: {  	s10 =	simm.s32 $0x660;
	s5 =	sadd.s32 $0xCC, s30;
	s9 =	sadd.s32 s13, s9  }
0x12: {  	s13 =	simm.s32 $0x4;
	s8 =	sadd.s32 $0x264, s9;
	s9 =	sshrl.u32 @!p0 s2, $0x3  }
.LBB2_1:
0x13: {  	s26 =	simm.s32 @!p0 $0x1C05;
	s0 =	rddreg [dreg:$0x0]  }
0x14: {  	[spmem:s9], [sflag:s26] =	dma.local @!p0 [hbm:s0], $0x688  }
0x15: {  	s26 =	simm.s32 @!p0 $0x5  }
0x16: {  	_ =	swait.ge @!p0 [sflag:s26], $0x688  }
0x17: {  	[sflag:s26] =	ssyncset.done @!p0 $0x0  }
0x18: {  	[sflag:s26] =	ssyncadd.s32 @!p0 $0xFFFFF978  }
0x19: {  	[bflag:$0x0] =	sbarrier.arrive $0xFFFF  }
0x1a: {  	[tilespmem:s3], [sflag:$0x3] =	stream.linear.gather [hbm4b:s4+s3], $0x660, $0x38;
	[tilespmem:$0x1A808] =	vst v63  }
0x1b: {  	_ = 	snop  }
0x1c: {  	[tilespmem:s10], [sflag:$0x4] =	stream.linear.gather [hbm4b:s5+s3], $0x660, $0x38;
	[tilespmem:$0x1A808] =	vst v63  }
0x1d: {  	_ =	swait.ge [sflag:s11], $0x660  }
0x1e: {  	[sflag:s11] =	ssyncset.done $0x0  }
0x1f: {  	[sflag:s11] =	ssyncadd.s32 $0xFFFFF9A0  }
0x20: {  	[tilespmem:s12], [sflag:$0x1] =	stream.indirect.gather [spmem:s2], $0x20, s3, s10, $0xb8;
	[tilespmem:$0x1A808] =	vst v63  }
0x21: {  	_ =	swait.ge [sflag:s13], $0x660  }
0x22: {  	[sflag:s13] =	ssyncset.done $0x0  }
0x23: {  	[sflag:s13] =	ssyncadd.s32 $0xFFFFF9A0  }
0x24: {  	[tilespmem:s14], [sflag:$0x2] =	stream.indirect.gather [spmem:s2], $0x20, s10, s10, $0xb8;
	[tilespmem:$0x1A808] =	vst v63  }
0x25: {  	_ =	swait.ge [sflag:s15], $0xCC00  }
0x26: {  	[sflag:s15] =	ssyncset.done $0x0  }
0x27: {  	s31 =	sadd.s32 $0x0, s7;
	[sflag:s15] =	ssyncadd.s32 $0xFFFF3400  }
0x28: {  	[hbm4b:s31+s16] =	stream.strided.scatter [tilespmem:s12], [sflag:$0x1], $0x3300, s17, s16, $0x38;
	[tilespmem:$0x1A808] =	vst v63  }
0x29: {  	s28 =	sadd.s32 $0x4, s31  }
0x2a: {  	[hbm4b:s28+s16] =	stream.strided.scatter [tilespmem:s18], [sflag:$0x1], $0x3300, s17, s16, $0x38;
	[tilespmem:$0x1A808] =	vst v63  }
0x2b: {  	s28 =	sadd.s32 $0x8, s31  }
0x2c: {  	[hbm4b:s28+s16] =	stream.strided.scatter [tilespmem:s19], [sflag:$0x1], $0x3300, s17, s16, $0x38;
	[tilespmem:$0x1A808] =	vst v63  }
0x2d: {  	s28 =	sadd.s32 $0xC, s31  }
0x2e: {  	[hbm4b:s28+s16] =	stream.strided.scatter [tilespmem:s20], [sflag:$0x1], $0x3300, s17, s16, $0x38;
	[tilespmem:$0x1A808] =	vst v63  }
0x2f: {  	_ =	swait.ge [sflag:s15], $0x3300  }
0x30: {  	[sflag:s15] =	ssyncset.done $0x0  }
0x31: {  	[sflag:s15] =	ssyncadd.s32 $0xFFFFCD00  }
0x32: {  	_ =	swait.ge [sflag:s15], $0x3300  }
0x33: {  	[sflag:s15] =	ssyncset.done $0x0  }
0x34: {  	[sflag:s15] =	ssyncadd.s32 $0xFFFFCD00  }
0x35: {  	_ =	swait.ge [sflag:s15], $0x3300  }
0x36: {  	[sflag:s15] =	ssyncset.done $0x0  }
0x37: {  	[sflag:s15] =	ssyncadd.s32 $0xFFFFCD00  }
0x38: {  	p1 =	por $0x0, $0x0;
	_ =	swait.ge [sflag:s15], $0x3300  }
0x39: {  	s29 =	simm.s32 @!p1 $0x0;
	[sflag:s15] =	ssyncset.done $0x0  }
0x3a: {  	s30 =	simm.s32 @!p1 $0x3;
	s28 =	sadd.s32 @!p1 $0xFFFFFF34, s8;
	[sflag:s15] =	ssyncadd.s32 $0xFFFFCD00  }
0x3b: {  	[tilespmem:s29], [sflag:$0x3] =	stream.linear.gather @!p1 [hbm4b:s28+s29], $0x660, $0x38;
	[tilespmem:$0x1A808] =	vst v63  }
0x3c: {  	_ =	swait.ge @!p1 [sflag:s30], $0x660  }
0x3d: {  	[sflag:s30] =	ssyncset.done @!p1 $0x0  }
0x3e: {  	s28 =	simm.s32 @!p1 $0x660;
	[sflag:s30] =	ssyncadd.s32 @!p1 $0xFFFFF9A0;
	s30 =	simm.s32 @!p1 $0xCC0  }
0x3f: {  	[tilespmem:s30], [sflag:$0x1] =	stream.indirect.gather @!p1 [spmem:s2], $0x20, s29, s28, $0xb8;
	[tilespmem:$0x1A808] =	vst v63  }
0x40: {  	_ = 	snop  }
0x41: {  	[tilespmem:s28], [sflag:$0x4] =	stream.linear.gather @!p1 [hbm4b:s8+s29], $0x660, $0x38;
	[tilespmem:$0x1A808] =	vst v63  }
0x42: {  	_ =	swait.ge [sflag:s21], $0xCC00  }
0x43: {  	[sflag:s21] =	ssyncset.done $0x0  }
0x44: {  	s28 =	sadd.s32 $0x1980, s31;
	[sflag:s21] =	ssyncadd.s32 $0xFFFF3400  }
0x45: {  	[hbm4b:s28+s16] =	stream.strided.scatter [tilespmem:s14], [sflag:$0x2], $0x3300, s17, s16, $0x38;
	[tilespmem:$0x1A808] =	vst v63  }
0x46: {  	s28 =	sadd.s32 $0x1984, s31  }
0x47: {  	[hbm4b:s28+s16] =	stream.strided.scatter [tilespmem:s22], [sflag:$0x2], $0x3300, s17, s16, $0x38;
	[tilespmem:$0x1A808] =	vst v63  }
0x48: {  	s28 =	sadd.s32 $0x1988, s31  }
0x49: {  	[hbm4b:s28+s16] =	stream.strided.scatter [tilespmem:s23], [sflag:$0x2], $0x3300, s17, s16, $0x38;
	[tilespmem:$0x1A808] =	vst v63  }
0x4a: {  	s26 =	sadd.s32 $0x198C, s31  }
0x4b: {  	[hbm4b:s26+s16] =	stream.strided.scatter [tilespmem:s24], [sflag:$0x2], $0x3300, s17, s16, $0x38;
	[tilespmem:$0x1A808] =	vst v63  }
0x4c: {  	_ =	swait.ge [sflag:s21], $0x3300  }
0x4d: {  	[sflag:s21] =	ssyncset.done $0x0  }
0x4e: {  	[sflag:s21] =	ssyncadd.s32 $0xFFFFCD00  }
0x4f: {  	_ =	swait.ge [sflag:s21], $0x3300  }
0x50: {  	[sflag:s21] =	ssyncset.done $0x0  }
0x51: {  	[sflag:s21] =	ssyncadd.s32 $0xFFFFCD00  }
0x52: {  	_ =	swait.ge [sflag:s21], $0x3300  }
0x53: {  	[sflag:s21] =	ssyncset.done $0x0  }
0x54: {  	[sflag:s21] =	ssyncadd.s32 $0xFFFFCD00  }
0x55: {  	s28 =	smov.u32 s8;
	s26 =	simm.s32 $0x3300;
	_ =	swait.ge [sflag:s21], $0x3300  }
.LBB2_2:
0x56: {  	[sflag:s21] =	ssyncset.done $0x0  }
0x57: {  	s28 =	sadd.s32 $0x198, s28;
	s30 =	smov.u32 s26;
	s26 =	sadd.s32 $0x3300, s26  }
0x58: {  	p1 =	sne.s32 s26, $0x33000;
	[sflag:s21] =	ssyncadd.s32 $0xFFFFCD00  }
0x59: {  	_ =	swait.ge [sflag:s13], $0x660  }
0x5a: {  	[sflag:s13] =	ssyncset.done $0x0  }
0x5b: {  	[sflag:s13] =	ssyncadd.s32 $0xFFFFF9A0  }
0x5c: {  	[tilespmem:s14], [sflag:$0x2] =	stream.indirect.gather [spmem:s2], $0x20, s10, s10, $0xb8;
	[tilespmem:$0x1A808] =	vst v63  }
0x5d: {  	_ =	swait.ge [sflag:s15], $0xCC00  }
0x5e: {  	s29 =	sadd.s32 s30, s7;
	[sflag:s15] =	ssyncset.done $0x0  }
0x5f: {  	[sflag:s15] =	ssyncadd.s32 $0xFFFF3400  }
0x60: {  	[hbm4b:s29+s16] =	stream.strided.scatter [tilespmem:s12], [sflag:$0x1], $0x3300, s17, s16, $0x38;
	[tilespmem:$0x1A808] =	vst v63  }
0x61: {  	s31 =	sadd.s32 $0x4, s29  }
0x62: {  	[hbm4b:s31+s16] =	stream.strided.scatter [tilespmem:s18], [sflag:$0x1], $0x3300, s17, s16, $0x38;
	[tilespmem:$0x1A808] =	vst v63  }
0x63: {  	s31 =	sadd.s32 $0x8, s29  }
0x64: {  	[hbm4b:s31+s16] =	stream.strided.scatter [tilespmem:s19], [sflag:$0x1], $0x3300, s17, s16, $0x38;
	[tilespmem:$0x1A808] =	vst v63  }
0x65: {  	s31 =	sadd.s32 $0xC, s29  }
0x66: {  	[hbm4b:s31+s16] =	stream.strided.scatter [tilespmem:s20], [sflag:$0x1], $0x3300, s17, s16, $0x38;
	[tilespmem:$0x1A808] =	vst v63  }
0x67: {  	_ =	swait.ge [sflag:s15], $0x3300  }
0x68: {  	[sflag:s15] =	ssyncset.done $0x0  }
0x69: {  	[sflag:s15] =	ssyncadd.s32 $0xFFFFCD00  }
0x6a: {  	_ =	swait.ge [sflag:s15], $0x3300  }
0x6b: {  	[sflag:s15] =	ssyncset.done $0x0  }
0x6c: {  	[sflag:s15] =	ssyncadd.s32 $0xFFFFCD00  }
0x6d: {  	_ =	swait.ge [sflag:s15], $0x3300  }
0x6e: {  	[sflag:s15] =	ssyncset.done $0x0  }
0x6f: {  	[sflag:s15] =	ssyncadd.s32 $0xFFFFCD00  }
0x70: {  	p2 =	seq.s32 s30, $0x2FD00;
	_ =	swait.ge [sflag:s15], $0x3300  }
0x71: {  	s30 =	sadd.s32 @!p2 $0xFFFFFF34, s28;
	s31 =	simm.s32 @!p2 $0x0;
	[sflag:s15] =	ssyncset.done $0x0  }
0x72: {  	s0 =	simm.s32 @!p2 $0x3;
	[sflag:s15] =	ssyncadd.s32 $0xFFFFCD00  }
0x73: {  	[tilespmem:s31], [sflag:$0x3] =	stream.linear.gather @!p2 [hbm4b:s30+s31], $0x660, $0x38;
	[tilespmem:$0x1A808] =	vst v63  }
0x74: {  	_ =	swait.ge @!p2 [sflag:s0], $0x660  }
0x75: {  	s1 =	simm.s32 @!p2 $0xCC0;
	s30 =	simm.s32 @!p2 $0x660;
	[sflag:s0] =	ssyncset.done @!p2 $0x0  }
0x76: {  	[sflag:s0] =	ssyncadd.s32 @!p2 $0xFFFFF9A0  }
0x77: {  	[tilespmem:s1], [sflag:$0x1] =	stream.indirect.gather @!p2 [spmem:s2], $0x20, s31, s30, $0xb8;
	[tilespmem:$0x1A808] =	vst v63  }
0x78: {  	_ = 	snop  }
0x79: {  	[tilespmem:s30], [sflag:$0x4] =	stream.linear.gather @!p2 [hbm4b:s28+s31], $0x660, $0x38;
	[tilespmem:$0x1A808] =	vst v63  }
0x7a: {  	_ =	swait.ge [sflag:s21], $0xCC00  }
0x7b: {  	s0 =	sadd.s32 $0x1980, s29;
	[sflag:s21] =	ssyncset.done $0x0  }
0x7c: {  	s1 =	sadd.s32 $0x1984, s29;
	[sflag:s21] =	ssyncadd.s32 $0xFFFF3400  }
0x7d: {  	[hbm4b:s0+s16] =	stream.strided.scatter [tilespmem:s14], [sflag:$0x2], $0x3300, s17, s16, $0x38;
	[tilespmem:$0x1A808] =	vst v63  }
0x7e: {  	s0 =	sadd.s32 $0x1988, s29  }
0x7f: {  	[hbm4b:s1+s16] =	stream.strided.scatter [tilespmem:s22], [sflag:$0x2], $0x3300, s17, s16, $0x38;
	[tilespmem:$0x1A808] =	vst v63  }
0x80: {  	s1 =	sadd.s32 $0x198C, s29  }
0x81: {  	[hbm4b:s0+s16] =	stream.strided.scatter [tilespmem:s23], [sflag:$0x2], $0x3300, s17, s16, $0x38;
	[tilespmem:$0x1A808] =	vst v63  }
0x82: {  	_ = 	snop  }
0x83: {  	[hbm4b:s1+s16] =	stream.strided.scatter [tilespmem:s24], [sflag:$0x2], $0x3300, s17, s16, $0x38;
	[tilespmem:$0x1A808] =	vst v63  }
0x84: {  	_ =	swait.ge [sflag:s21], $0x3300  }
0x85: {  	[sflag:s21] =	ssyncset.done $0x0  }
0x86: {  	[sflag:s21] =	ssyncadd.s32 $0xFFFFCD00  }
0x87: {  	_ =	swait.ge [sflag:s21], $0x3300  }
0x88: {  	[sflag:s21] =	ssyncset.done $0x0  }
.Ltmp0:
0x89: {  	[sflag:s21] =	ssyncadd.s32 $0xFFFFCD00;
	(pc) =	sbr.rel @p1 .LBB2_2-.Ltmp0, $4  }
0x8a: {  	_ =	swait.ge [sflag:s21], $0x3300  }
0x8b: {  	[sflag:s21] =	ssyncset.done $0x0  }
0x8c: {  	[sflag:s21] =	ssyncadd.s32 $0xFFFFCD00  }
0x8d: {  	_ =	swait.ge [sflag:s21], $0x3300  }
0x8e: {  	s25 =	sadd.s32 $0x1, s25  }
0x8f: {  	p1 =	sne.s32 s25, s6  }
.Ltmp1:
0x90: {  	_ = 	snop;
	(pc) =	sbr.rel @p1 .LBB2_1-.Ltmp1, $3  }
0x91: {  	_ =	sdelay $0x1  }
0x92: {  	[sflag:s21] =	ssyncset.done $0x0  }
0x93: {  	[sflag:s21] =	ssyncadd.s32 $0xFFFFCD00  }
0x94: {  	_ =	sfence.sel $0x180000  }
0x95: {  	[bflag:$0x0] =	sbarrier.arrive $0xFFFF  }
0x96: {  	_ =	strace $0x90000047  }
0x97: {  	[bflag:$0x2] =	sbarrier.arrive $0xFFFF  }
0x98: {  	s0 =	rddreg [dreg:$0x2]  }
0x99: {  	s0 =	sadd.s32 @!p0 $0x100000, s0  }
0x9a: {  	[sflag:s0] =	ssyncadd.tile.s32 @!p0 $0x1;
	_ =	shalt  }
.Lfunc_end2:
_tile_overlayer_lowered:
.L_overlay_start_2:
0x9b: {  	(tag) =	ssettag $0x2  }
0x9c: {  	s0 =	rddreg [dreg:$0x0];
	s2 =	stileid.u32  }
0x9d: {  	s1 =	rddreg [dreg:$0x1];
	p0 =	sne.s32 s2, $0x0  }
0x9e: {  	s3 =	rddreg [dreg:$0x2];
	[bflag:$0x3] =	sbarrier.arrive $0xFFFF;
	s2 =	simm.s32 @!p0 $0x1C05  }
0x9f: {  	[timem:s3], [sflag:s2] =	dma.local @!p0 [hbm:s0], s1  }
0xa0: {  	s0 =	simm.s32 @!p0 $0x5  }
0xa1: {  	_ =	swait.ge @!p0 [sflag:s0], s1  }
0xa2: {  	s1 =	ssub.s32 @!p0 $0x0, s1;
	[sflag:s0] =	ssyncset.done @!p0 $0x0  }
0xa3: {  	[sflag:s0] =	ssyncadd.s32 @!p0 s1  }
0xa4: {  	[bflag:$0x3] =	sbarrier.arrive $0xFFFF  }
0xa5: {  	_ =	shalt  }

</sc_bundles>
